<compile_context>
chip_gen: v7x
topology: tpu7x:2x2x1
jax: 0.10.2.dev20260603
libtpu: 0.0.44.dev20260713+nightly
codegen_flags: <defaults>
</compile_context>

<pallas_src>
import math

import jax
import jax.numpy as jnp
import numpy as np
from jax import lax
from jax.experimental import pallas as pl
from jax.experimental.pallas import tpu as pltpu
from jax.experimental.pallas import tpu_sc as plsc

_MAX_L = 4
_NL = 35


def _tables():
    lst = []
    for l in range(_MAX_L + 1):
        for lx in range(l, -1, -1):
            for ly in range(l - lx, -1, -1):
                lst.append((lx, ly, l - lx - ly))
    pref = np.zeros((_NL,), np.float64)
    for i, (lx, ly, lz) in enumerate(lst):
        l = lx + ly + lz
        if l == 0:
            continue
        pref[i] = math.factorial(l) / (
            math.factorial(lx) * math.factorial(ly) * math.factorial(lz))
    return pref


_PREF = _tables()
_SLOT_STARTS = (1, 4, 10, 20)


def _tc_body(p_ref, x_ref, o_ref):
    j = pl.program_id(1)
    l = j + 1
    x = x_ref[0, 0]
    pref = p_ref[0, j]
    t = (x * x) * pref
    first = (l == 1) | (l == 4) | (l == 10) | (l == 20)

    @pl.when(first)
    def _():
        o_ref[0, 0] = t

    @pl.when(jnp.logical_not(first))
    def _():
        o_ref[0, 0] += t


def _sc_body(x_hbm, o_hbm, x_v):
    wid = lax.axis_index("s") * 2 + lax.axis_index("c")

    @pl.when(wid < 8)
    def _():
        pltpu.sync_copy(x_hbm.at[wid, 0], x_v)
        pltpu.sync_copy(x_v, o_hbm.at[wid, 0])


def kernel(node_attr):
    N, R, L, C = node_attr.shape
    xt = jnp.transpose(node_attr, (1, 2, 3, 0))

    def _slot(j):
        l = j + 1
        return (l >= 4).astype(jnp.int32) + (l >= 10) + (l >= 20)

    pref_tab = jnp.asarray(_PREF[1:], jnp.float32).reshape(1, L - 1)
    yt = pl.pallas_call(
        _tc_body,
        grid=(R, L - 1),
        in_specs=[
            pl.BlockSpec(memory_space=pltpu.SMEM),
            pl.BlockSpec((1, 1, C, N), lambda r, j: (r, j + 1, 0, 0)),
        ],
        out_specs=pl.BlockSpec((1, 1, C, N), lambda r, j: (r, 1 + _slot(j), 0, 0)),
        out_shape=jax.ShapeDtypeStruct((R, 5, C, N), jnp.float32),
    )(pref_tab, xt)

    mesh = plsc.VectorSubcoreMesh(core_axis_name="c", subcore_axis_name="s")
    sc_run = pl.kernel(
        _sc_body,
        out_type=jax.ShapeDtypeStruct((R, 1, C, N), jnp.float32),
        mesh=mesh,
        scratch_types=[pltpu.VMEM((C, N), jnp.float32)],
        compiler_params=pltpu.CompilerParams(use_tc_tiling_on_sc=True),
    )
    y0 = sc_run(xt)

    yt = lax.dynamic_update_slice(yt, y0, (0, 0, 0, 0))
    return jnp.transpose(yt, (3, 0, 1, 2))

# --- scband reference (transcript-rebuilt; emitter-appended) ---
"""Pipeline reference for scband-symmetrizer-triton-2843268350087 (READ-ONLY COPY).

The authoritative reference and input builder live on the scoring server;
editing this copy changes nothing except your own understanding.
"""

import jax, jax.numpy as jnp
import numpy as np
import math

MAX_L = 4

def _build_l_list(max_l):
    l_list = []
    for l in range(max_l + 1):
        for lx in range(l, -1, -1):
            for ly in range(l - lx, -1, -1):
                lz = l - lx - ly
                l_list.append((lx, ly, lz))
    return l_list

L_LIST = _build_l_list(MAX_L)
L_INDEX = {t: i for i, t in enumerate(L_LIST)}

def _build_nu2(max_l):
    # find_combo_vectors_nu2: for each total angular momentum l (one slot per l),
    # combos are [lxlylz, lxlylz, multinomial prefactor l!/(lx! ly! lz!)]
    idxs, prefs, slots = [], [], []
    for l1 in range(1, max_l + 1):
        slot = l1 - 1
        for lx in range(l1 + 1):
            for ly in range(l1 - lx + 1):
                lz = l1 - lx - ly
                pref = math.factorial(l1) / (math.factorial(lx) * math.factorial(ly) * math.factorial(lz))
                i = L_INDEX[(lx, ly, lz)]
                idxs.append([i, i])
                prefs.append(pref)
                slots.append(slot)
    return (np.array(idxs, dtype=np.int32), np.array(prefs, dtype=np.float32), np.array(slots, dtype=np.int32))

IDX_NU2, PREF_NU2, SLOT_NU2 = _build_nu2(MAX_L)
N_SLOTS_NU2 = MAX_L
N_ANGULAR_SYM = 1 + N_SLOTS_NU2


def setup_inputs(seed: int = 0) -> dict:
    key = jax.random.key(seed)
    node_attr = jax.random.normal(key, (10000, 8, 35, 8), dtype=jnp.float32)
    return {"node_attr": node_attr}


def reference(node_attr):
    # Faithful port of Symmetrizer_Vectorized.forward for max_nu=2 (the
    # Triton class falls back to this path on non-CUDA devices).
    num_nodes, n_radial, n_l, n_channel = node_attr.shape
    idx = jnp.asarray(IDX_NU2)                      # [ncombo, 2]
    pref = jnp.asarray(PREF_NU2, dtype=node_attr.dtype)
    slots = jnp.asarray(SLOT_NU2)
    gathered = node_attr[:, :, idx, :]              # [N, R, ncombo, 2, C]
    products = jnp.prod(gathered, axis=3)           # [N, R, ncombo, C]
    weighted = products * pref[None, None, :, None]
    moved = jnp.moveaxis(weighted, 2, 0)            # [ncombo, N, R, C]
    slot_sum = jax.ops.segment_sum(moved, slots, num_segments=N_SLOTS_NU2)
    slice_out = jnp.moveaxis(slot_sum, 0, 2)        # [N, R, n_slots, C]
    first = node_attr[:, :, 0:1, :]                 # slot 0 copies l=(0,0,0)
    sym_node_attr = jnp.concatenate([first, slice_out], axis=2)
    return sym_node_attr

if __name__ == "__main__":
    import jax
    _d = setup_inputs()
    print(jax.jit(kernel)(*tuple(_d.values())))

</pallas_src>

<mosaic_0001>
#map = affine_map<(d0, d1) -> (0, 0, 0, 0)>
module attributes {stable_mosaic.version = 14 : i64} {
  func.func @_sc_body(%arg0: i32, %arg1: i32, %arg2: memref<8x35x8x10000xf32, #tpu.memory_space<hbm>>, %arg3: memref<8x1x8x10000xf32, #tpu.memory_space<hbm>>, %arg4: memref<8x10000xf32, #tpu.memory_space<vmem>>) attributes {dimension_semantics = [#tpu.dimension_semantics<core_parallel>, #tpu.dimension_semantics<subcore_parallel>], iteration_bounds = array<i64: 2, 16>, scalar_prefetch = 0 : i64, scratch_operands = 1 : i64, tpu.core_type = #tpu.core_type<sc_vector_subcore>, window_params = [{transform_indices = #map}, {transform_indices = #map}]} {
    %mul3A = arith.constant 2 : i32
    %mul3A_0 = arith.muli %arg1, %mul3A : i32
    %add3A = arith.addi %mul3A_0, %arg0 : i32
    %lt3A = arith.constant 8 : i32
    %lt3A_1 = arith.cmpi slt, %add3A, %lt3A : i32
    %convert_element_type3A = arith.extui %lt3A_1 : i1 to i32
    %cond3A = arith.constant 0 : i32
    %cond3A_2 = arith.cmpi ne, %convert_element_type3A, %cond3A : i32
    scf.if %cond3A_2 {
      %run_scoped3A = arith.constant 0 : i32
      "tpu.region"() ({
        %run_scoped3A_4 = tpu.sem_alloc : memref<!tpu.dma_semaphore, #tpu.memory_space<semaphore_mem>>
        %dma_start3A = arith.constant 0 : i32
        %dma_start3A_5 = arith.constant 0 : i32
        %dma_start3A_6 = tpu.memref_slice %arg2[%add3A, %run_scoped3A, %dma_start3A, %dma_start3A_5] : memref<8x35x8x10000xf32, #tpu.memory_space<hbm>> -> memref<1x1x8x10000xf32, #tpu.memory_space<hbm>>
        %dma_start3A_7 = tpu.memref_squeeze %dma_start3A_6 : memref<1x1x8x10000xf32, #tpu.memory_space<hbm>> -> memref<8x10000xf32, #tpu.memory_space<hbm>>
        %dma_start3A_8 = arith.constant 0 : i32
        %dma_start3A_9 = arith.constant 0 : i32
        %dma_start3A_10 = tpu.memref_slice %arg2[%add3A, %run_scoped3A, %dma_start3A_8, %dma_start3A_9] : memref<8x35x8x10000xf32, #tpu.memory_space<hbm>> -> memref<1x1x8x10000xf32, #tpu.memory_space<hbm>>
        %dma_start3A_11 = tpu.memref_squeeze %dma_start3A_10 : memref<1x1x8x10000xf32, #tpu.memory_space<hbm>> -> memref<8x10000xf32, #tpu.memory_space<hbm>>
        tpu.enqueue_dma source(%dma_start3A_11 : memref<8x10000xf32, #tpu.memory_space<hbm>>) target(%arg4 : memref<8x10000xf32, #tpu.memory_space<vmem>>) target_semaphore(%run_scoped3A_4 : memref<!tpu.dma_semaphore, #tpu.memory_space<semaphore_mem>>)
        %dma_wait3A = arith.constant 0 : i32
        %dma_wait3A_12 = arith.constant 0 : i32
        %dma_wait3A_13 = tpu.memref_slice %arg2[%add3A, %run_scoped3A, %dma_wait3A, %dma_wait3A_12] : memref<8x35x8x10000xf32, #tpu.memory_space<hbm>> -> memref<1x1x8x10000xf32, #tpu.memory_space<hbm>>
        %dma_wait3A_14 = tpu.memref_squeeze %dma_wait3A_13 : memref<1x1x8x10000xf32, #tpu.memory_space<hbm>> -> memref<8x10000xf32, #tpu.memory_space<hbm>>
        %dma_wait3A_15 = arith.constant 0 : i32
        %dma_wait3A_16 = arith.constant 0 : i32
        %dma_wait3A_17 = tpu.memref_slice %arg2[%add3A, %run_scoped3A, %dma_wait3A_15, %dma_wait3A_16] : memref<8x35x8x10000xf32, #tpu.memory_space<hbm>> -> memref<1x1x8x10000xf32, #tpu.memory_space<hbm>>
        %dma_wait3A_18 = tpu.memref_squeeze %dma_wait3A_17 : memref<1x1x8x10000xf32, #tpu.memory_space<hbm>> -> memref<8x10000xf32, #tpu.memory_space<hbm>>
        tpu.wait_dma2 semaphore(%run_scoped3A_4 : memref<!tpu.dma_semaphore, #tpu.memory_space<semaphore_mem>>) src(%dma_wait3A_18 : memref<8x10000xf32, #tpu.memory_space<hbm>>) dst(%arg4 : memref<8x10000xf32, #tpu.memory_space<vmem>>)
        tpu.yield
      }) : () -> ()
      %run_scoped3A_3 = arith.constant 0 : i32
      "tpu.region"() ({
        %run_scoped3A_4 = tpu.sem_alloc : memref<!tpu.dma_semaphore, #tpu.memory_space<semaphore_mem>>
        %dma_start3A = arith.constant 0 : i32
        %dma_start3A_5 = arith.constant 0 : i32
        %dma_start3A_6 = tpu.memref_slice %arg3[%add3A, %run_scoped3A_3, %dma_start3A, %dma_start3A_5] : memref<8x1x8x10000xf32, #tpu.memory_space<hbm>> -> memref<1x1x8x10000xf32, #tpu.memory_space<hbm>>
        %dma_start3A_7 = tpu.memref_squeeze %dma_start3A_6 : memref<1x1x8x10000xf32, #tpu.memory_space<hbm>> -> memref<8x10000xf32, #tpu.memory_space<hbm>>
        %dma_start3A_8 = arith.constant 0 : i32
        %dma_start3A_9 = arith.constant 0 : i32
        %dma_start3A_10 = tpu.memref_slice %arg3[%add3A, %run_scoped3A_3, %dma_start3A_8, %dma_start3A_9] : memref<8x1x8x10000xf32, #tpu.memory_space<hbm>> -> memref<1x1x8x10000xf32, #tpu.memory_space<hbm>>
        %dma_start3A_11 = tpu.memref_squeeze %dma_start3A_10 : memref<1x1x8x10000xf32, #tpu.memory_space<hbm>> -> memref<8x10000xf32, #tpu.memory_space<hbm>>
        tpu.enqueue_dma source(%arg4 : memref<8x10000xf32, #tpu.memory_space<vmem>>) target(%dma_start3A_11 : memref<8x10000xf32, #tpu.memory_space<hbm>>) target_semaphore(%run_scoped3A_4 : memref<!tpu.dma_semaphore, #tpu.memory_space<semaphore_mem>>)
        %dma_wait3A = arith.constant 0 : i32
        %dma_wait3A_12 = arith.constant 0 : i32
        %dma_wait3A_13 = tpu.memref_slice %arg3[%add3A, %run_scoped3A_3, %dma_wait3A, %dma_wait3A_12] : memref<8x1x8x10000xf32, #tpu.memory_space<hbm>> -> memref<1x1x8x10000xf32, #tpu.memory_space<hbm>>
        %dma_wait3A_14 = tpu.memref_squeeze %dma_wait3A_13 : memref<1x1x8x10000xf32, #tpu.memory_space<hbm>> -> memref<8x10000xf32, #tpu.memory_space<hbm>>
        %dma_wait3A_15 = arith.constant 0 : i32
        %dma_wait3A_16 = arith.constant 0 : i32
        %dma_wait3A_17 = tpu.memref_slice %arg3[%add3A, %run_scoped3A_3, %dma_wait3A_15, %dma_wait3A_16] : memref<8x1x8x10000xf32, #tpu.memory_space<hbm>> -> memref<1x1x8x10000xf32, #tpu.memory_space<hbm>>
        %dma_wait3A_18 = tpu.memref_squeeze %dma_wait3A_17 : memref<1x1x8x10000xf32, #tpu.memory_space<hbm>> -> memref<8x10000xf32, #tpu.memory_space<hbm>>
        tpu.wait_dma2 semaphore(%run_scoped3A_4 : memref<!tpu.dma_semaphore, #tpu.memory_space<semaphore_mem>>) src(%arg4 : memref<8x10000xf32, #tpu.memory_space<vmem>>) dst(%dma_wait3A_18 : memref<8x10000xf32, #tpu.memory_space<hbm>>)
        tpu.yield
      }) : () -> ()
    } else {
    }
    return
  }
}

module attributes {stable_mosaic.version = 14 : i64} {
  func.func @_tc_body(%arg0: i32, %arg1: i32, %arg2: memref<1x34xf32, #tpu.memory_space<smem>>, %arg3: memref<1x1x8x10000xf32, #tpu.memory_space<vmem>>, %arg4: memref<1x1x8x10000xf32, #tpu.memory_space<vmem>>) attributes {dimension_semantics = [#tpu.dimension_semantics<arbitrary>, #tpu.dimension_semantics<arbitrary>], iteration_bounds = array<i64: 8, 34>, scalar_prefetch = 0 : i64, scratch_operands = 0 : i64, tpu.core_type = #tpu.core_type<tc>, window_params = [{transform_indices = @transform_0, window_bounds = array<i64: 1, 34>}, {transform_indices = @transform_1, window_bounds = array<i64: 1, 1, 8, 10000>}, {transform_indices = @transform_2, window_bounds = array<i64: 1, 1, 8, 10000>}]} {
    %add3A = arith.constant 1 : i32
    %add3A_0 = arith.addi %arg1, %add3A : i32
    %get3A = arith.constant 0 : index
    %get3A_1 = arith.constant 0 : index
    %get3A_2 = arith.constant 0 : index
    %get3A_3 = arith.constant 0 : index
    %get3A_4 = vector.load %arg3[%get3A, %get3A_1, %get3A_2, %get3A_3] : memref<1x1x8x10000xf32, #tpu.memory_space<vmem>>, vector<1x1x8x10000xf32>
    %get3A_5 = vector.shape_cast %get3A_4 : vector<1x1x8x10000xf32> to vector<8x10000xf32>
    %get3A_6 = arith.constant 0 : index
    %get3A_7 = arith.index_cast %arg1 : i32 to index
    %get3A_8 = memref.load %arg2[%get3A_6, %get3A_7] : memref<1x34xf32, #tpu.memory_space<smem>>
    %mul3A = arith.mulf %get3A_5, %get3A_5 : vector<8x10000xf32>
    %mul3A_9 = vector.broadcast %get3A_8 : f32 to vector<8x10000xf32>
    %mul3A_10 = arith.mulf %mul3A, %mul3A_9 : vector<8x10000xf32>
    %eq3A = arith.constant 1 : i32
    %eq3A_11 = arith.cmpi eq, %add3A_0, %eq3A : i32
    %eq3A_12 = arith.constant 4 : i32
    %eq3A_13 = arith.cmpi eq, %add3A_0, %eq3A_12 : i32
    %or3A = arith.ori %eq3A_11, %eq3A_13 : i1
    %eq3A_14 = arith.constant 10 : i32
    %eq3A_15 = arith.cmpi eq, %add3A_0, %eq3A_14 : i32
    %or3A_16 = arith.ori %or3A, %eq3A_15 : i1
    %eq3A_17 = arith.constant 20 : i32
    %eq3A_18 = arith.cmpi eq, %add3A_0, %eq3A_17 : i32
    %or3A_19 = arith.ori %or3A_16, %eq3A_18 : i1
    %convert_element_type3A = arith.extui %or3A_19 : i1 to i32
    %cond3A = arith.constant 0 : i32
    %cond3A_20 = arith.cmpi ne, %convert_element_type3A, %cond3A : i32
    scf.if %cond3A_20 {
      %swap3A = arith.constant 0 : index
      %swap3A_25 = arith.constant 0 : index
      %swap3A_26 = arith.constant 0 : index
      %swap3A_27 = arith.constant 0 : index
      %swap3A_28 = vector.load %arg4[%swap3A, %swap3A_25, %swap3A_26, %swap3A_27] : memref<1x1x8x10000xf32, #tpu.memory_space<vmem>>, vector<1x1x8x10000xf32>
      %swap3A_29 = vector.shape_cast %swap3A_28 : vector<1x1x8x10000xf32> to vector<8x10000xf32>
      %swap3A_30 = vector.shape_cast %mul3A_10 : vector<8x10000xf32> to vector<1x1x8x10000xf32>
      tpu.vector_store %arg4[%swap3A, %swap3A_25, %swap3A_26, %swap3A_27], %swap3A_30 {strides = array<i32>} : memref<1x1x8x10000xf32, #tpu.memory_space<vmem>>, vector<1x1x8x10000xf32>,
    } else {
    }
    %not3A = arith.constant true
    %not3A_21 = arith.xori %or3A_19, %not3A : i1
    %convert_element_type3A_22 = arith.extui %not3A_21 : i1 to i32
    %cond3A_23 = arith.constant 0 : i32
    %cond3A_24 = arith.cmpi ne, %convert_element_type3A_22, %cond3A_23 : i32
    scf.if %cond3A_24 {
      %get3A_25 = arith.constant 0 : index
      %get3A_26 = arith.constant 0 : index
      %get3A_27 = arith.constant 0 : index
      %get3A_28 = arith.constant 0 : index
      %get3A_29 = vector.load %arg4[%get3A_25, %get3A_26, %get3A_27, %get3A_28] : memref<1x1x8x10000xf32, #tpu.memory_space<vmem>>, vector<1x1x8x10000xf32>
      %get3A_30 = vector.shape_cast %get3A_29 : vector<1x1x8x10000xf32> to vector<8x10000xf32>
      %add3A_31 = arith.addf %get3A_30, %mul3A_10 : vector<8x10000xf32>
      %swap3A = arith.constant 0 : index
      %swap3A_32 = arith.constant 0 : index
      %swap3A_33 = arith.constant 0 : index
      %swap3A_34 = arith.constant 0 : index
      %swap3A_35 = vector.load %arg4[%swap3A, %swap3A_32, %swap3A_33, %swap3A_34] : memref<1x1x8x10000xf32, #tpu.memory_space<vmem>>, vector<1x1x8x10000xf32>
      %swap3A_36 = vector.shape_cast %swap3A_35 : vector<1x1x8x10000xf32> to vector<8x10000xf32>
      %swap3A_37 = vector.shape_cast %add3A_31 : vector<8x10000xf32> to vector<1x1x8x10000xf32>
      tpu.vector_store %arg4[%swap3A, %swap3A_32, %swap3A_33, %swap3A_34], %swap3A_37 {strides = array<i32>} : memref<1x1x8x10000xf32, #tpu.memory_space<vmem>>, vector<1x1x8x10000xf32>,
    } else {
    }
    return
  }
  func.func @transform_0(%arg0: i32, %arg1: i32) -> (i32, i32) {
    %c0_i32 = arith.constant 0 : i32
    %c0_i32_0 = arith.constant 0 : i32
    %c0_i32_1 = arith.constant 0 : i32
    return %c0_i32, %c0_i32_0 : i32, i32
  }
  func.func @transform_1(%arg0: i32, %arg1: i32) -> (i32, i32, i32, i32) {
    %add3A = arith.constant 1 : i32
    %add3A_0 = arith.addi %arg1, %add3A : i32
    %c0_i32 = arith.constant 0 : i32
    %c0_i32_1 = arith.constant 0 : i32
    %c0_i32_2 = arith.constant 0 : i32
    return %arg0, %add3A_0, %c0_i32, %c0_i32_1 : i32, i32, i32, i32
  }
  func.func @transform_2(%arg0: i32, %arg1: i32) -> (i32, i32, i32, i32) {
    %add3A = arith.constant 1 : i32
    %add3A_0 = arith.addi %arg1, %add3A : i32
    %ge3A = arith.constant 4 : i32
    %ge3A_1 = arith.cmpi sge, %add3A_0, %ge3A : i32
    %convert_element_type3A = arith.extui %ge3A_1 : i1 to i32
    %ge3A_2 = arith.constant 10 : i32
    %ge3A_3 = arith.cmpi sge, %add3A_0, %ge3A_2 : i32
    %convert_element_type3A_4 = arith.extui %ge3A_3 : i1 to i32
    %add3A_5 = arith.addi %convert_element_type3A, %convert_element_type3A_4 : i32
    %ge3A_6 = arith.constant 20 : i32
    %ge3A_7 = arith.cmpi sge, %add3A_0, %ge3A_6 : i32
    %convert_element_type3A_8 = arith.extui %ge3A_7 : i1 to i32
    %add3A_9 = arith.addi %add3A_5, %convert_element_type3A_8 : i32
    %add3A_10 = arith.constant 1 : i32
    %add3A_11 = arith.addi %add3A_10, %add3A_9 : i32
    %c0_i32 = arith.constant 0 : i32
    %c0_i32_12 = arith.constant 0 : i32
    %c0_i32_13 = arith.constant 0 : i32
    return %arg0, %add3A_11, %c0_i32, %c0_i32_12 : i32, i32, i32, i32
  }
}

</mosaic_0001>

<sc_bundles>
// kernel: kernel.4.cloned.1.call-start
scs
__scs_entry_jumppad:
0x0: {  	(pc) =	sbr.rel $0x88, $3  }
0x1: {  	(tag) =	ssettag $0x0;
	lr =	simm.s32 $0x1  }
0x2: {  	[smem:$0x3FA0] =	sst lr;
	_ =	strace $0xD0000000  }
0x3: {  	_ = 	snop  }
0x4: {  	_ = 	snop  }
0x5: {  	_ = 	snop  }
0x6: {  	_ = 	snop  }
0x7: {  	_ = 	snop  }
__scs_overlays_trampoline_lowered:
0x8: {  	[smem:$0x3FAF] =	sst s0  }
0x9: {  	[smem:$0x3FB0] =	sst s1  }
0xa: {  	[smem:$0x3FB1] =	sst s2  }
0xb: {  	[smem:$0x3FB2] =	sst s3  }
0xc: {  	[smem:$0x3FB3] =	sst s4  }
0xd: {  	[smem:$0x3FB4] =	sst s5  }
0xe: {  	[smem:$0x3FB5] =	sst s6  }
0xf: {  	[smem:$0x3FB6] =	sst s7  }
0x10: {  	[smem:$0x3FB7] =	sst s8  }
0x11: {  	[smem:$0x3FB8] =	sst s9;
	s0 =	simm.s32 @!p0 $0x0  }
0x12: {  	s1 =	sld [smem:$0x3F9E];
	s0 =	simm.s32 @p0 $0x1  }
0x13: {  	[smem:$0x3FB9] =	sst s0;
	s0 =	simm.s32 @!p1 $0x0  }
0x14: {  	s2 =	sld [smem:$0x3F9D];
	s0 =	simm.s32 @p1 $0x1  }
0x15: {  	[smem:$0x3FBA] =	sst s0;
	s0 =	simm.s32 @!p2 $0x0  }
0x16: {  	s3 =	sld [smem:$0x3FDB];
	s0 =	simm.s32 @p2 $0x1  }
0x17: {  	s4 =	simm.s32 $0x1BF5;
	[smem:$0x3FBC] =	sst s0  }
0x18: {  	s0 =	sld [smem:$0x3F9F];
	_ =	swait.ge [sflag:s4], $0x0  }
0x19: {  	s7 =	sld [smem:$0x3FA0]  }
0x1a: {  	s8 =	sadd.s32 $0xFFFFE003, lr  }
0x1b: {  	s9 =	sadd.s32 $0xFFFFFEF7, lr;
	s5 =	simm.s32 $0xFFFFFFFF;
	p2 =	slt.u32 s8, $0xFFFFF086  }
0x1c: {  	p1 =	slt.u32 s9, $0xF7A;
	s5 =	simm.s32 @!p2 $0x0  }
0x1d: {  	s5 =	simm.s32 @p1 $0x1;
	p0 =	seq.s32 s7, s2  }
0x1e: {  	s7 =	smul.u32 @!p0 $0xF7A, s2;
	p2 =	seq.s32 @!p0 s5, $0x0  }
0x1f: {  	s9 =	smul.u32 $0xF7A, s1;
	s8 =	simm.s32 @!p0 $0x1BF5;
	p2 =	por !p2, p0  }
0x20: {  	[sflag:s8] =	ssyncset.s32 @!p0 $0xFFFFF086;
	s6 =	sadd.s32 @!p0 s3, s7;
	s7 =	simm.s32 @!p0 $0x108  }
0x21: {  	s3 =	sadd.s32 s3, s9;
	s6 =	sadd.s32 @!p0 $0x88, s6;
	s7 =	simm.s32 @p2 $0x1082  }
0x22: {  	[simem:s7], [sflag:s8] =	dma.local @!p0 [hbm:s6], $0xF7A  }
0x23: {  	s9 =	sor.u32 $0xD0000000, s2;
	s6 =	simm.s32 $0x108;
	_ =	swait.ge @!p0 [sflag:s8], $0x0  }
0x24: {  	s3 =	sadd.s32 $0x88, s3;
	s6 =	simm.s32 @!p1 $0x1082;
	[sflag:s4] =	ssyncset.s32 $0xFFFFF086  }
0x25: {  	[simem:s6], [sflag:s4] =	dma.local [hbm:s3], $0xF7A  }
0x26: {  	[smem:$0x3FA0] =	sst s1;
	(tag) =	ssettag s2;
	_ =	strace s9  }
0x27: {  	s1 =	sld [smem:$0x3FB0]  }
0x28: {  	s2 =	sld [smem:$0x3FB1]  }
0x29: {  	s4 =	sld [smem:$0x3FB3]  }
0x2a: {  	p0 =	seq.s32 s5, $0x0;
	s5 =	sld [smem:$0x3FB4]  }
0x2b: {  	s6 =	sld [smem:$0x3FB5]  }
0x2c: {  	s7 =	sld [smem:$0x3FB6]  }
0x2d: {  	s3 =	simm.s32 $0x108;
	s8 =	sld [smem:$0x3FB7]  }
0x2e: {  	s3 =	simm.s32 @!p0 $0x1082;
	s9 =	sld [smem:$0x3FB8]  }
0x2f: {  	lr =	sadd.s32 s0, s3;
	s0 =	sld [smem:$0x3FAF]  }
0x30: {  	s3 =	sld [smem:$0x3FB2]  }
0x31: {  	[smem:$0x3FBB] =	sst s10  }
0x32: {  	s10 =	sld [smem:$0x3FB9];
	_ =	sdelay $0x3  }
0x33: {  	p0 =	seq.s32 s10, $0x1;
	s10 =	sld [smem:$0x3FBB];
	_ =	sdelay $0x3  }
0x34: {  	[smem:$0x3FBB] =	sst s10  }
0x35: {  	s10 =	sld [smem:$0x3FBA];
	_ =	sdelay $0x3  }
0x36: {  	p1 =	seq.s32 s10, $0x1;
	s10 =	sld [smem:$0x3FBB];
	_ =	sdelay $0x3  }
0x37: {  	[smem:$0x3FBB] =	sst s10  }
0x38: {  	s10 =	sld [smem:$0x3FBC]  }
0x39: {  	_ = 	snop;
	(pc) =	sbr.ind lr, $3  }
0x3a: {  	_ = 	snop  }
0x3b: {  	_ = 	snop  }
0x3c: {  	p2 =	seq.s32 s10, $0x1;
	s10 =	sld [smem:$0x3FBB]  }
0x3d: {  	_ =	shalt  }
0x3e: {  	_ =	shalt  }
0x3f: {  	_ =	shalt  }
0x40: {  	_ =	shalt  }
0x41: {  	_ =	shalt  }
0x42: {  	_ =	shalt  }
0x43: {  	_ =	shalt  }
0x44: {  	_ =	shalt  }
0x45: {  	_ =	shalt  }
0x46: {  	_ =	shalt  }
0x47: {  	_ =	shalt  }
0x48: {  	_ =	shalt  }
0x49: {  	_ =	shalt  }
0x4a: {  	_ =	shalt  }
0x4b: {  	_ =	shalt  }
0x4c: {  	_ =	shalt  }
0x4d: {  	_ =	shalt  }
0x4e: {  	_ =	shalt  }
0x4f: {  	_ =	shalt  }
0x50: {  	_ =	shalt  }
0x51: {  	_ =	shalt  }
0x52: {  	_ =	shalt  }
0x53: {  	_ =	shalt  }
0x54: {  	_ =	shalt  }
0x55: {  	_ =	shalt  }
0x56: {  	_ =	shalt  }
0x57: {  	_ =	shalt  }
0x58: {  	_ =	shalt  }
0x59: {  	_ =	shalt  }
0x5a: {  	_ =	shalt  }
0x5b: {  	_ =	shalt  }
0x5c: {  	_ =	shalt  }
0x5d: {  	_ =	shalt  }
0x5e: {  	_ =	shalt  }
0x5f: {  	_ =	shalt  }
0x60: {  	_ =	shalt  }
0x61: {  	_ =	shalt  }
0x62: {  	_ =	shalt  }
0x63: {  	_ =	shalt  }
0x64: {  	_ =	shalt  }
0x65: {  	_ =	shalt  }
0x66: {  	_ =	shalt  }
0x67: {  	_ =	shalt  }
0x68: {  	_ =	shalt  }
0x69: {  	_ =	shalt  }
0x6a: {  	_ =	shalt  }
0x6b: {  	_ =	shalt  }
0x6c: {  	_ =	shalt  }
0x6d: {  	_ =	shalt  }
0x6e: {  	_ =	shalt  }
0x6f: {  	_ =	shalt  }
0x70: {  	_ =	shalt  }
0x71: {  	_ =	shalt  }
0x72: {  	_ =	shalt  }
0x73: {  	_ =	shalt  }
0x74: {  	_ =	shalt  }
0x75: {  	_ =	shalt  }
0x76: {  	_ =	shalt  }
0x77: {  	_ =	shalt  }
0x78: {  	_ =	shalt  }
0x79: {  	_ =	shalt  }
0x7a: {  	_ =	shalt  }
0x7b: {  	_ =	shalt  }
0x7c: {  	_ =	shalt  }
0x7d: {  	_ =	shalt  }
0x7e: {  	_ =	shalt  }
0x7f: {  	_ =	shalt  }
0x80: {  	_ =	shalt  }
0x81: {  	_ =	shalt  }
0x82: {  	_ =	shalt  }
0x83: {  	_ =	shalt  }
0x84: {  	_ =	shalt  }
0x85: {  	_ =	shalt  }
0x86: {  	_ =	shalt  }
0x87: {  	_ =	shalt  }
.Lfunc_end0:
.L_simem_size_0:
called_computation_lowered:
.L_overlay_start_0:
0x88: {  	s2 =	sld [smem:$0x3FD9]  }
0x89: {  	s3 =	sld [smem:$0x3FFE];
	_ =	sdelay $0x1  }
0x8a: {  	s1 =	srdreg.scid  }
0x8b: {  	s0 =	sand.u32 $0x1, s1  }
0x8c: {  	s17 =	sshll.u32 s0, $0xA;
	s2 =	sadd.s32 s3, s2  }
0x8d: {  	s2 =	sadd.s32 s2, s17  }
0x8e: {  	[smem:$0x3FC7] =	sst s2  }
0x8f: {  	_ = 	snop  }
0x90: {  	s2 =	sld [smem:$0x3FC9];
	(tm) =	ssettm $0x1  }
0x91: {  	s18 =	sld [smem:$0x3FFB];
	_ =	sdelay $0x3  }
0x92: {  	_ =	strace s18  }
0x93: {  	s3 =	sld [smem:$0x3FFC];
	_ =	sdelay $0x3  }
0x94: {  	_ =	strace s3  }
0x95: {  	s3 =	sld [smem:$0x3FFD];
	_ =	sdelay $0x3  }
0x96: {  	_ =	strace s3  }
0x97: {  	_ =	strace $0x8FFFFFFF  }
0x98: {  	s19 =	sld [smem:$0x3FDB];
	_ =	sdelay $0x1  }
0x99: {  	s4 =	simm.s32 $_scs_section_size  }
0x9a: {  	s5 =	simm.s32 $_size__tile_overlayer_lowered;
	s6 =	simm.s32 $_tile_overlayer_lowered  }
0x9b: {  	s22 =	simm.s32 $0x1BFF;
	s21 =	sshll.u32 s6, $0x1;
	s3 =	sadd.s32 s4, s19  }
0x9c: {  	s7 =	simm.s32 $0x0;
	s20 =	sshll.u32 s5, $0x1;
	s5 =	sadd.s32 s21, s3  }
0x9d: {  	[timem:s7], [sflag:s22] =	dma.local [hbm:s5], s20  }
0x9e: {  	_ =	swait.ge [sflag:s22], s20  }
0x9f: {  	s4 =	ssub.s32 $0x0, s20;
	[sflag:s22] =	ssyncset.done $0x0  }
0xa0: {  	[sflag:s22] =	ssyncadd.s32 s4;
	_ =	sdelay $0x1  }
0xa1: {  	s23 =	simm.s32 $0x1B8B  }
0xa2: {  	_ =	swait.ge [sflag:s23], $0x1  }
0xa3: {  	[sflag:s23] =	ssyncset.done $0x0  }
0xa4: {  	s25 =	simm.s32 $0x1B8E;
	s24 =	sld [smem:$0x3FFE];
	[sflag:s23] =	ssyncadd.s32 $0xFFFFFFFF  }
0xa5: {  	s26 =	simm.s32 $execute0_lowered;
	[smem:$0x3FD2] =	sst s25  }
0xa6: {  	s5 =	sshll.u32 s26, $0x1;
	_ =	strace $0x80000046;
	[dreg:$0x1] =	wrdreg $0xFFFFFFFF  }
0xa7: {  	s28 =	simm.s32 $_size_execute0_lowered;
	s3 =	sadd.s32 s3, s5;
	[dreg:$0x0] =	wrdreg $0x0  }
0xa8: {  	s5 =	sshll.u32 s28, $0x1;
	[dreg:$0x2] =	wrdreg s3  }
0xa9: {  	[dreg:$0x3] =	wrdreg s5  }
0xaa: {  	[dreg:$0x4] =	wrdreg $0xC0  }
0xab: {  	_ =	task [dreg:s7], $0x5FFFF  }
0xac: {  	[dreg:$0x1] =	wrdreg $0xFFFFFFFF  }
0xad: {  	[dreg:$0x0] =	wrdreg $0x60  }
0xae: {  	[dreg:$0x2] =	wrdreg s2  }
0xaf: {  	[dreg:$0x3] =	wrdreg s24  }
0xb0: {  	[dreg:$0x4] =	wrdreg $0x9  }
0xb1: {  	_ =	task.clear_ibuf [dreg:s7], $0x5FFFF;
	_ =	strace $0x90000046  }
0xb2: {  	s29 =	simm.s32 $0x9;
	_ =	strace $0x80000048  }
0xb3: {  	_ =	swait.ge [sflag:s29], $0x1  }
0xb4: {  	[sflag:s29] =	ssyncadd.s32 $0xFFFFFFFF  }
0xb5: {  	_ =	strace $0x90000048  }
0xb6: {  	_ =	sfence  }
0xb7: {  	s30 =	sld [smem:$0x0];
	_ =	sdelay $0x2  }
0xb8: {  	s31 =	sshll.u32 s1, $0xD;
	s1 =	sshrl.u32 s1, $0x2  }
0xb9: {  	s3 =	sand.u32 $0x4000, s31;
	s1 =	sadd.s32 s1, s30  }
0xba: {  	s0 =	sor.u32 s3, s0;
	s1 =	sshll.u32 s1, $0x11  }
0xbb: {  	s0 =	sor.u32 s1, s0  }
0xbc: {  	s0 =	sadd.s32 $0x8F2B, s0  }
0xbd: {  	[sflag:s0] =	ssyncadd.remote.s32 $0x1  }
0xbe: {  	_ =	sfence.sel $0xFFFF  }
0xbf: {  	[dreg:$0x0] =	wrdreg $0xFFFFFFFF;
	(pc) =	sbr.abs _section_cstart, $3  }
0xc0: {  	[dreg:$0x1] =	wrdreg $0xFFFFFFFF  }
0xc1: {  	_ =	task.clear_ibuf [dreg:s7], $0x2FFFF;
	_ =	strace $0x9FFFFFFF  }
0xc2: {  	(tm) =	ssettm $0x7FFFFFFF  }
0xc3: {  	_ =	shalt  }
tec
execute0_lowered:
.L_overlay_start_1:
0x0: {  	(tag) =	ssettag $0x1  }
0x1: {  	s1 =	stileid.u32  }
0x2: {  	p0 =	sgt.u32 s1, $0x3  }
.Ltmp0:
0x3: {  	_ = 	snop;
	(pc) =	sbr.rel @p0 .LBB2_4-.Ltmp0, $4  }
0x4: {  	s3 =	rddreg [dreg:$0x0]  }
0x5: {  	s5 =	rddreg [dreg:$0x1];
	s2 =	simm.s32 $0x0  }
0x6: {  	[smem:$0x7FF] =	sst s2  }
0x7: {  	s0 =	rddreg [dreg:$0x2];
	_ =	strace $0x80000047  }
0x8: {  	s4 =	srdreg.scid  }
0x9: {  	s6 =	sshll.u32 s1, $0x1;
	s4 =	sand.u32 $0x1, s4  }
0xa: {  	s6 =	sor.u32 s4, s6  }
0xb: {  	s8 =	ssub.s32 $0x2, s4;
	s7 =	smul.u32 $0x56680, s6  }
0xc: {  	s6 =	smul.u32 $0x2780, s6;
	s30 =	sshrl.u32 s8, $0x1  }
0xd: {  	s31 =	ssub.s32 s8, s30;
	s4 =	sadd.s32 s3, s7  }
0xe: {  	s3 =	simm.s32 $0x1;
	s5 =	sadd.s32 s6, s5;
	s6 =	smax.u32 s31, $0x1  }
0xf: {  	[tilespmem:s2], [sflag:$0x1] =	stream.linear.gather [hbm4b:s4+s2], $0x13C00, $0x38;
	[tilespmem:$0x13C00] =	vst v63  }
0x10: {  	p0 =	sne.s32 s6, $0x1;
	_ =	swait.ge [sflag:s3], $0x13C00  }
.Ltmp1:
0x11: {  	[sflag:s3] =	ssyncset.done $0x0;
	(pc) =	sbr.rel @!p0 .LBB2_3-.Ltmp1, $4  }
0x12: {  	s5 =	sadd.s32 $0x600, s5;
	[sflag:s3] =	ssyncadd.s32 $0xFFFEC400  }
0x13: {  	[hbm4b:s5+s2] =	stream.linear.scatter [tilespmem:s2], [sflag:$0x1], $0x13C00, $0x38;
	[tilespmem:$0x13C00] =	vst v63  }
0x14: {  	_ =	swait.ge [sflag:s3], $0x13C00  }
0x15: {  	s6 =	sadd.s32 $0xFFFFFFFF, s6;
	[sflag:s3] =	ssyncset.done $0x0  }
.LBB2_2:
0x16: {  	p0 =	sne.s32 s6, $0x1;
	s6 =	sadd.s32 $0xFFFFFFFF, s6;
	[sflag:s3] =	ssyncadd.s32 $0xFFFEC400  }
0x17: {  	[tilespmem:s2], [sflag:$0x1] =	stream.linear.gather [hbm4b:s4+s2], $0x13C00, $0x38;
	[tilespmem:$0x13C00] =	vst v63  }
0x18: {  	_ =	swait.ge [sflag:s3], $0x13C00  }
.Ltmp2:
0x19: {  	[sflag:s3] =	ssyncset.done $0x0;
	(pc) =	sbr.rel @p0 .LBB2_2-.Ltmp2, $4  }
0x1a: {  	[sflag:s3] =	ssyncadd.s32 $0xFFFEC400  }
0x1b: {  	[hbm4b:s5+s2] =	stream.linear.scatter [tilespmem:s2], [sflag:$0x1], $0x13C00, $0x38;
	[tilespmem:$0x13C00] =	vst v63  }
0x1c: {  	_ =	swait.ge [sflag:s3], $0x13C00  }
0x1d: {  	[sflag:s3] =	ssyncset.done $0x0  }
.LBB2_3:
0x1e: {  	[sflag:s3] =	ssyncadd.s32 $0xFFFEC400  }
.LBB2_4:
0x1f: {  	_ =	sfence.sel $0x180000  }
0x20: {  	[bflag:$0x0] =	sbarrier.arrive $0xFFFF  }
0x21: {  	p0 =	sne.s32 s1, $0x0;
	_ =	strace $0x90000047  }
0x22: {  	s0 =	sadd.s32 @!p0 $0x100000, s0;
	[bflag:$0x2] =	sbarrier.arrive $0xFFFF  }
0x23: {  	[sflag:s0] =	ssyncadd.tile.s32 @!p0 $0x1;
	_ =	shalt  }
.Lfunc_end2:
_tile_overlayer_lowered:
.L_overlay_start_2:
0x24: {  	(tag) =	ssettag $0x2  }
0x25: {  	s0 =	rddreg [dreg:$0x0];
	s2 =	stileid.u32  }
0x26: {  	s1 =	rddreg [dreg:$0x1];
	p0 =	sne.s32 s2, $0x0  }
0x27: {  	s3 =	rddreg [dreg:$0x2];
	[bflag:$0x3] =	sbarrier.arrive $0xFFFF;
	s2 =	simm.s32 @!p0 $0x1C01  }
0x28: {  	[timem:s3], [sflag:s2] =	dma.local @!p0 [hbm:s0], s1  }
0x29: {  	s0 =	simm.s32 @!p0 $0x1  }
0x2a: {  	_ =	swait.ge @!p0 [sflag:s0], s1  }
0x2b: {  	s1 =	ssub.s32 @!p0 $0x0, s1;
	[sflag:s0] =	ssyncset.done @!p0 $0x0  }
0x2c: {  	[sflag:s0] =	ssyncadd.s32 @!p0 s1  }
0x2d: {  	[bflag:$0x3] =	sbarrier.arrive $0xFFFF  }
0x2e: {  	_ =	shalt  }

</sc_bundles>
